<compile_context>
chip_gen: v7x
topology: tpu7x:2x2x1
jax: 0.10.2.dev20260603
libtpu: 0.0.44.dev20260713+nightly
codegen_flags: <defaults>
</compile_context>

<pallas_src>
import functools

import jax
import jax.numpy as jnp
from jax import lax
from jax.experimental import pallas as pl
from jax.experimental.pallas import tpu as pltpu
from jax.experimental.pallas import tpu_sc as plsc


def _sc_gather(table, idx):
    V, D = table.shape
    B = idx.shape[0]
    info = plsc.get_sparse_core_info()
    num_workers = info.num_cores * info.num_subcores
    b_per_w = B // num_workers
    mesh = plsc.VectorSubcoreMesh(core_axis_name="c", subcore_axis_name="s")

    @functools.partial(
        pl.kernel,
        mesh=mesh,
        out_type=jax.ShapeDtypeStruct((B, D), jnp.float32),
        scratch_types=[
            pltpu.VMEM((b_per_w,), jnp.int32),
            pltpu.VMEM((b_per_w, D), jnp.float32),
            pltpu.SemaphoreType.DMA,
        ],
    )
    def gather_kernel(table_hbm, idx_hbm, out_hbm, idx_v, rows_v, sem):
        wid = lax.axis_index("s") * info.num_cores + lax.axis_index("c")
        base = wid * b_per_w
        pltpu.sync_copy(idx_hbm.at[pl.ds(base, b_per_w)], idx_v)
        pltpu.async_copy(table_hbm.at[idx_v], rows_v, sem).wait()
        pltpu.sync_copy(rows_v, out_hbm.at[pl.ds(base, b_per_w)])

    return gather_kernel(table, idx)


def _sc_overall(w_flat, lat_b, C, N, NK, n_chunks):
    info = plsc.get_sparse_core_info()
    num_workers = info.num_cores * info.num_subcores
    rpw = C // num_workers
    mesh = plsc.VectorSubcoreMesh(core_axis_name="c", subcore_axis_name="s")

    @functools.partial(
        pl.kernel,
        mesh=mesh,
        out_type=jax.ShapeDtypeStruct((C, N), jnp.float32),
        scratch_types=[
            pltpu.VMEM((rpw, 128), jnp.float32),
            pltpu.VMEM((NK,), jnp.float32),
            pltpu.VMEM((rpw, NK), jnp.float32),
        ],
    )
    def overall_kernel(w_hbm, lat_hbm, out_hbm, latv, wbuf, obuf):
        wid = lax.axis_index("s") * info.num_cores + lax.axis_index("c")
        r0 = wid * rpw
        pltpu.sync_copy(lat_hbm.at[pl.ds(r0, rpw)], latv)
        lats = [latv[i, pl.ds(0, 16)] for i in range(rpw)]

        def chunk_body(k, carry):
            off = k * NK
            pltpu.sync_copy(w_hbm.at[pl.ds(off, NK)], wbuf)
            for j in range(NK // 16):
                wv = wbuf[pl.ds(16 * j, 16)]
                for i in range(rpw):
                    obuf[i, pl.ds(16 * j, 16)] = wv * lats[i]
            pltpu.sync_copy(obuf, out_hbm.at[pl.ds(r0, rpw), pl.ds(off, NK)])
            return carry

        lax.fori_loop(0, n_chunks, chunk_body, 0)

    return overall_kernel(w_flat, lat_b)


def _tail_body(alias_ref, lat_ref, w_ref, o_ref):
    o_ref[...] = lat_ref[...] * w_ref[...]


def _select_t_body(wp_ref, par_ref, o_ref):
    half = o_ref.shape[0]
    par = par_ref[...]
    sel = jnp.where(par != 0, wp_ref[:, half:], wp_ref[:, :half])
    o_ref[...] = sel.T


def _overall_body(lat_ref, wov_ref, o_ref):
    o_ref[...] = lat_ref[...] * wov_ref[...]


def _height_body(lat_ref, wgt_ref, o_ref):
    o_ref[...] = lat_ref[...] * wgt_ref[...]


def kernel(latent, genes_oi, W_height, W_overall):
    C = latent.shape[0]
    G = genes_oi.shape[0]
    V, D = W_height.shape
    N = W_overall.shape[0]

    gi = genes_oi.astype(jnp.int32)
    packed = W_height.reshape(V // 2, 2 * D)
    wp = _sc_gather(packed, gi >> 1)

    wgt = pl.pallas_call(
        _select_t_body,
        out_shape=jax.ShapeDtypeStruct((D, G), jnp.float32),
    )(wp, (gi & 1).reshape(G, 1))

    NB = 3200
    out2 = pl.pallas_call(
        _overall_body,
        grid=(pl.cdiv(N, NB),),
        in_specs=[
            pl.BlockSpec((C, 1), lambda i: (0, 0)),
            pl.BlockSpec((1, NB), lambda i: (0, i)),
        ],
        out_specs=pl.BlockSpec((C, NB), lambda i: (0, i)),
        out_shape=jax.ShapeDtypeStruct((C, N), jnp.float32),
    )(latent.reshape(C, 1), W_overall.reshape(1, N))

    CB = 16
    out1 = pl.pallas_call(
        _height_body,
        grid=(C // CB,),
        in_specs=[
            pl.BlockSpec((CB, 1, 1), lambda i: (i, 0, 0)),
            pl.BlockSpec((1, D, G), lambda i: (0, 0, 0)),
        ],
        out_specs=pl.BlockSpec((CB, D, G), lambda i: (i, 0, 0)),
        out_shape=jax.ShapeDtypeStruct((C, D, G), jnp.float32),
    )(latent.reshape(C, 1, 1), wgt.reshape(1, D, G))

    delta_height = out1.transpose(0, 2, 1)
    delta_overall = out2.reshape(C, N, 1)
    return delta_height, delta_overall

# --- scband reference (transcript-rebuilt; emitter-appended) ---
"""Pipeline reference for scband-model-84774064488748 (READ-ONLY COPY).

The authoritative reference and input builder live on the scoring server;
editing this copy changes nothing except your own understanding.
"""

import jax, jax.numpy as jnp
import numpy as np

N_GENES = 100000
N_DELTA_HEIGHT = 64
N_CELLS = 256
N_GENES_OI = 2048

def setup_inputs(seed: int = 0) -> dict:
    key = jax.random.key(seed)
    k1, k2, k3, k4 = jax.random.split(key, 4)
    latent = jax.random.normal(k1, (N_CELLS, 1, 1), dtype=jnp.float32)
    genes_oi = jax.random.randint(k2, (N_GENES_OI,), 0, N_GENES, dtype=jnp.int64)
    # Learned parameters (original code zero-inits; randomized here for a nontrivial test)
    W_height = jax.random.normal(k3, (N_GENES, N_DELTA_HEIGHT), dtype=jnp.float32) * 0.02
    W_overall = jax.random.normal(k4, (N_GENES, 1), dtype=jnp.float32) * 0.02
    return {"latent": latent, "genes_oi": genes_oi, "W_height": W_height, "W_overall": W_overall}

def reference(latent, genes_oi, W_height, W_overall):
    # Decoder.forward
    delta_height_slope = jnp.take(W_height, genes_oi, axis=0)   # embedding lookup [G_oi, D]
    delta_overall_slope = W_overall                              # full weight [n_genes, 1]
    delta_height = delta_height_slope * latent                   # [C, G_oi, D] via broadcast
    delta_overall = delta_overall_slope * latent                  # [C, n_genes, 1] via broadcast
    return (delta_height, delta_overall)

if __name__ == "__main__":
    import jax
    _d = setup_inputs()
    print(jax.jit(kernel)(*tuple(_d.values())))

</pallas_src>

<mosaic_0001>
#map = affine_map<(d0, d1) -> (0, 0)>
#map1 = affine_map<(d0, d1) -> (0)>
module attributes {stable_mosaic.version = 14 : i64} {
  func.func @gather_kernel(%arg0: i32, %arg1: i32, %arg2: memref<50000x128xf32, #tpu.memory_space<hbm>>, %arg3: memref<2048xi32, #tpu.memory_space<hbm>>, %arg4: memref<2048x128xf32, #tpu.memory_space<hbm>>, %arg5: memref<64xi32, #tpu.memory_space<vmem>>, %arg6: memref<64x128xf32, #tpu.memory_space<vmem>>, %arg7: memref<!tpu.dma_semaphore, #tpu.memory_space<semaphore_mem>>) attributes {dimension_semantics = [#tpu.dimension_semantics<core_parallel>, #tpu.dimension_semantics<subcore_parallel>], iteration_bounds = array<i64: 2, 16>, scalar_prefetch = 0 : i64, scratch_operands = 3 : i64, tpu.core_type = #tpu.core_type<sc_vector_subcore>, window_params = [{transform_indices = #map}, {transform_indices = #map1}, {transform_indices = #map}]} {
    %mul3A = arith.constant 2 : i32
    %mul3A_0 = arith.muli %arg1, %mul3A : i32
    %add3A = arith.addi %mul3A_0, %arg0 : i32
    %mul3A_1 = arith.constant 64 : i32
    %mul3A_2 = arith.muli %add3A, %mul3A_1 : i32
    "tpu.region"() ({
      %run_scoped3A = tpu.sem_alloc : memref<!tpu.dma_semaphore, #tpu.memory_space<semaphore_mem>>
      %dma_start3A_7 = tpu.memref_slice %arg3[%mul3A_2] : memref<2048xi32, #tpu.memory_space<hbm>> -> memref<64xi32, #tpu.memory_space<hbm>>
      %dma_start3A_8 = tpu.memref_slice %arg3[%mul3A_2] : memref<2048xi32, #tpu.memory_space<hbm>> -> memref<64xi32, #tpu.memory_space<hbm>>
      tpu.enqueue_dma source(%dma_start3A_8 : memref<64xi32, #tpu.memory_space<hbm>>) target(%arg5 : memref<64xi32, #tpu.memory_space<vmem>>) target_semaphore(%run_scoped3A : memref<!tpu.dma_semaphore, #tpu.memory_space<semaphore_mem>>)
      %dma_wait3A_9 = tpu.memref_slice %arg3[%mul3A_2] : memref<2048xi32, #tpu.memory_space<hbm>> -> memref<64xi32, #tpu.memory_space<hbm>>
      %dma_wait3A_10 = tpu.memref_slice %arg3[%mul3A_2] : memref<2048xi32, #tpu.memory_space<hbm>> -> memref<64xi32, #tpu.memory_space<hbm>>
      tpu.wait_dma2 semaphore(%run_scoped3A : memref<!tpu.dma_semaphore, #tpu.memory_space<semaphore_mem>>) src(%dma_wait3A_10 : memref<64xi32, #tpu.memory_space<hbm>>) dst(%arg5 : memref<64xi32, #tpu.memory_space<vmem>>)
      tpu.yield
    }) : () -> ()
    %dma_start3A = arith.constant 0 : i32
    %dma_start3A_3 = arith.constant 0 : i32
    %dma_start3A_4 = tpu.memref_slice %arg2[%dma_start3A, %dma_start3A_3] : memref<50000x128xf32, #tpu.memory_space<hbm>> -> memref<50000x128xf32, #tpu.memory_space<hbm>>
    tpu.enqueue_indirect_dma source(%dma_start3A_4 : memref<50000x128xf32, #tpu.memory_space<hbm>>) target(%arg6 : memref<64x128xf32, #tpu.memory_space<vmem>>) offsets(%arg5 : memref<64xi32, #tpu.memory_space<vmem>>) semaphore(%arg7 : memref<!tpu.dma_semaphore, #tpu.memory_space<semaphore_mem>>)
    %dma_wait3A = arith.constant 0 : i32
    %dma_wait3A_5 = arith.constant 0 : i32
    %dma_wait3A_6 = tpu.memref_slice %arg2[%dma_wait3A, %dma_wait3A_5] : memref<50000x128xf32, #tpu.memory_space<hbm>> -> memref<50000x128xf32, #tpu.memory_space<hbm>>
    tpu.wait_indirect_dma semaphore(%arg7 : memref<!tpu.dma_semaphore, #tpu.memory_space<semaphore_mem>>) src(%dma_wait3A_6 : memref<50000x128xf32, #tpu.memory_space<hbm>>) dst(%arg6 : memref<64x128xf32, #tpu.memory_space<vmem>>)
    "tpu.region"() ({
      %run_scoped3A = tpu.sem_alloc : memref<!tpu.dma_semaphore, #tpu.memory_space<semaphore_mem>>
      %dma_start3A_7 = arith.constant 0 : i32
      %dma_start3A_8 = tpu.memref_slice %arg4[%mul3A_2, %dma_start3A_7] : memref<2048x128xf32, #tpu.memory_space<hbm>> -> memref<64x128xf32, #tpu.memory_space<hbm>>
      %dma_start3A_9 = arith.constant 0 : i32
      %dma_start3A_10 = tpu.memref_slice %arg4[%mul3A_2, %dma_start3A_9] : memref<2048x128xf32, #tpu.memory_space<hbm>> -> memref<64x128xf32, #tpu.memory_space<hbm>>
      tpu.enqueue_dma source(%arg6 : memref<64x128xf32, #tpu.memory_space<vmem>>) target(%dma_start3A_10 : memref<64x128xf32, #tpu.memory_space<hbm>>) target_semaphore(%run_scoped3A : memref<!tpu.dma_semaphore, #tpu.memory_space<semaphore_mem>>)
      %dma_wait3A_11 = arith.constant 0 : i32
      %dma_wait3A_12 = tpu.memref_slice %arg4[%mul3A_2, %dma_wait3A_11] : memref<2048x128xf32, #tpu.memory_space<hbm>> -> memref<64x128xf32, #tpu.memory_space<hbm>>
      %dma_wait3A_13 = arith.constant 0 : i32
      %dma_wait3A_14 = tpu.memref_slice %arg4[%mul3A_2, %dma_wait3A_13] : memref<2048x128xf32, #tpu.memory_space<hbm>> -> memref<64x128xf32, #tpu.memory_space<hbm>>
      tpu.wait_dma2 semaphore(%run_scoped3A : memref<!tpu.dma_semaphore, #tpu.memory_space<semaphore_mem>>) src(%arg6 : memref<64x128xf32, #tpu.memory_space<vmem>>) dst(%dma_wait3A_14 : memref<64x128xf32, #tpu.memory_space<hbm>>)
      tpu.yield
    }) : () -> ()
    return
  }
}

module attributes {stable_mosaic.version = 14 : i64} {
  func.func @_overall_body(%arg0: i32, %arg1: memref<256x1xf32, #tpu.memory_space<vmem>>, %arg2: memref<1x3200xf32, #tpu.memory_space<vmem>>, %arg3: memref<256x3200xf32, #tpu.memory_space<vmem>>) attributes {dimension_semantics = [#tpu.dimension_semantics<arbitrary>], iteration_bounds = array<i64: 32>, scalar_prefetch = 0 : i64, scratch_operands = 0 : i64, tpu.core_type = #tpu.core_type<tc>, window_params = [{pipeline_mode = #tpu.pipeline_mode<synchronous>, transform_indices = @transform_0, window_bounds = array<i64: 256, 1>}, {transform_indices = @transform_1, window_bounds = array<i64: 1, 3200>}, {transform_indices = @transform_2, window_bounds = array<i64: 256, 3200>}]} {
    %get3A = arith.constant 0 : index
    %get3A_0 = arith.constant 0 : index
    %get3A_1 = vector.load %arg1[%get3A, %get3A_0] : memref<256x1xf32, #tpu.memory_space<vmem>>, vector<256x1xf32>
    %get3A_2 = arith.constant 0 : index
    %get3A_3 = arith.constant 0 : index
    %get3A_4 = vector.load %arg2[%get3A_2, %get3A_3] : memref<1x3200xf32, #tpu.memory_space<vmem>>, vector<1x3200xf32>
    %mul3A = vector.broadcast %get3A_1 : vector<256x1xf32> to vector<256x3200xf32>
    %mul3A_5 = vector.broadcast %get3A_4 : vector<1x3200xf32> to vector<256x3200xf32>
    %mul3A_6 = arith.mulf %mul3A, %mul3A_5 : vector<256x3200xf32>
    %swap3A = arith.constant 0 : index
    %swap3A_7 = arith.constant 0 : index
    %swap3A_8 = vector.load %arg3[%swap3A, %swap3A_7] : memref<256x3200xf32, #tpu.memory_space<vmem>>, vector<256x3200xf32>
    tpu.vector_store %arg3[%swap3A, %swap3A_7], %mul3A_6 {strides = array<i32>} : memref<256x3200xf32, #tpu.memory_space<vmem>>, vector<256x3200xf32>,
    return
  }
  func.func @transform_0(%arg0: i32) -> (i32, i32) {
    %c0_i32 = arith.constant 0 : i32
    %c0_i32_0 = arith.constant 0 : i32
    %c0_i32_1 = arith.constant 0 : i32
    return %c0_i32, %c0_i32_0 : i32, i32
  }
  func.func @transform_1(%arg0: i32) -> (i32, i32) {
    %c0_i32 = arith.constant 0 : i32
    %c0_i32_0 = arith.constant 0 : i32
    return %c0_i32, %arg0 : i32, i32
  }
  func.func @transform_2(%arg0: i32) -> (i32, i32) {
    %c0_i32 = arith.constant 0 : i32
    %c0_i32_0 = arith.constant 0 : i32
    return %c0_i32, %arg0 : i32, i32
  }
}

module attributes {stable_mosaic.version = 14 : i64} {
  func.func @_select_t_body(%arg0: memref<2048x128xf32, #tpu.memory_space<vmem>>, %arg1: memref<2048x1xi32, #tpu.memory_space<vmem>>, %arg2: memref<64x2048xf32, #tpu.memory_space<vmem>>) attributes {dimension_semantics = [], scalar_prefetch = 0 : i64, scratch_operands = 0 : i64, tpu.core_type = #tpu.core_type<tc>} {
    %get3A = arith.constant 0 : index
    %get3A_0 = arith.constant 0 : index
    %get3A_1 = vector.load %arg1[%get3A, %get3A_0] : memref<2048x1xi32, #tpu.memory_space<vmem>>, vector<2048x1xi32>
    %ne3A = arith.constant 0 : i32
    %ne3A_2 = vector.broadcast %ne3A : i32 to vector<2048x1xi32>
    %ne3A_3 = arith.cmpi ne, %get3A_1, %ne3A_2 : vector<2048x1xi32>
    %get3A_4 = arith.constant 0 : index
    %get3A_5 = arith.constant 64 : index
    %get3A_6 = vector.load %arg0[%get3A_4, %get3A_5] : memref<2048x128xf32, #tpu.memory_space<vmem>>, vector<2048x64xf32>
    %get3A_7 = arith.constant 0 : index
    %get3A_8 = arith.constant 0 : index
    %get3A_9 = vector.load %arg0[%get3A_7, %get3A_8] : memref<2048x128xf32, #tpu.memory_space<vmem>>, vector<2048x64xf32>
    %broadcast_in_dim3A = vector.shape_cast %ne3A_3 : vector<2048x1xi1> to vector<2048x1xi1>
    %broadcast_in_dim3A_10 = vector.broadcast %broadcast_in_dim3A : vector<2048x1xi1> to vector<2048x64xi1>
    %select_n3A = arith.select %broadcast_in_dim3A_10, %get3A_6, %get3A_9 : vector<2048x64xi1>, vector<2048x64xf32>
    %transpose3A = tpu.transpose %select_n3A, [1, 0] : vector<2048x64xf32> -> vector<64x2048xf32>
    %swap3A = arith.constant 0 : index
    %swap3A_11 = arith.constant 0 : index
    %swap3A_12 = vector.load %arg2[%swap3A, %swap3A_11] : memref<64x2048xf32, #tpu.memory_space<vmem>>, vector<64x2048xf32>
    tpu.vector_store %arg2[%swap3A, %swap3A_11], %transpose3A {strides = array<i32>} : memref<64x2048xf32, #tpu.memory_space<vmem>>, vector<64x2048xf32>,
    return
  }
}

module attributes {stable_mosaic.version = 14 : i64} {
  func.func @_height_body(%arg0: i32, %arg1: memref<16x1x1xf32, #tpu.memory_space<vmem>>, %arg2: memref<1x64x2048xf32, #tpu.memory_space<vmem>>, %arg3: memref<16x64x2048xf32, #tpu.memory_space<vmem>>) attributes {dimension_semantics = [#tpu.dimension_semantics<arbitrary>], iteration_bounds = array<i64: 16>, scalar_prefetch = 0 : i64, scratch_operands = 0 : i64, tpu.core_type = #tpu.core_type<tc>, window_params = [{transform_indices = @transform_0, window_bounds = array<i64: 16, 1, 1>}, {pipeline_mode = #tpu.pipeline_mode<synchronous>, transform_indices = @transform_1, window_bounds = array<i64: 1, 64, 2048>}, {transform_indices = @transform_2, window_bounds = array<i64: 16, 64, 2048>}]} {
    %get3A = arith.constant 0 : index
    %get3A_0 = arith.constant 0 : index
    %get3A_1 = arith.constant 0 : index
    %get3A_2 = vector.load %arg1[%get3A, %get3A_0, %get3A_1] : memref<16x1x1xf32, #tpu.memory_space<vmem>>, vector<16x1x1xf32>
    %get3A_3 = arith.constant 0 : index
    %get3A_4 = arith.constant 0 : index
    %get3A_5 = arith.constant 0 : index
    %get3A_6 = vector.load %arg2[%get3A_3, %get3A_4, %get3A_5] : memref<1x64x2048xf32, #tpu.memory_space<vmem>>, vector<1x64x2048xf32>
    %mul3A = vector.broadcast %get3A_2 : vector<16x1x1xf32> to vector<16x64x2048xf32>
    %mul3A_7 = vector.broadcast %get3A_6 : vector<1x64x2048xf32> to vector<16x64x2048xf32>
    %mul3A_8 = arith.mulf %mul3A, %mul3A_7 : vector<16x64x2048xf32>
    %swap3A = arith.constant 0 : index
    %swap3A_9 = arith.constant 0 : index
    %swap3A_10 = arith.constant 0 : index
    %swap3A_11 = vector.load %arg3[%swap3A, %swap3A_9, %swap3A_10] : memref<16x64x2048xf32, #tpu.memory_space<vmem>>, vector<16x64x2048xf32>
    tpu.vector_store %arg3[%swap3A, %swap3A_9, %swap3A_10], %mul3A_8 {strides = array<i32>} : memref<16x64x2048xf32, #tpu.memory_space<vmem>>, vector<16x64x2048xf32>,
    return
  }
  func.func @transform_0(%arg0: i32) -> (i32, i32, i32) {
    %c0_i32 = arith.constant 0 : i32
    %c0_i32_0 = arith.constant 0 : i32
    %c0_i32_1 = arith.constant 0 : i32
    return %arg0, %c0_i32, %c0_i32_0 : i32, i32, i32
  }
  func.func @transform_1(%arg0: i32) -> (i32, i32, i32) {
    %c0_i32 = arith.constant 0 : i32
    %c0_i32_0 = arith.constant 0 : i32
    %c0_i32_1 = arith.constant 0 : i32
    %c0_i32_2 = arith.constant 0 : i32
    return %c0_i32, %c0_i32_0, %c0_i32_1 : i32, i32, i32
  }
  func.func @transform_2(%arg0: i32) -> (i32, i32, i32) {
    %c0_i32 = arith.constant 0 : i32
    %c0_i32_0 = arith.constant 0 : i32
    %c0_i32_1 = arith.constant 0 : i32
    return %arg0, %c0_i32, %c0_i32_0 : i32, i32, i32
  }
}

</mosaic_0001>

<sc_bundles>
// kernel: kernel.6.cloned.1.call-start
scs
__scs_entry_jumppad:
0x0: {  	(pc) =	sbr.rel $0x88, $3  }
0x1: {  	(tag) =	ssettag $0x0;
	lr =	simm.s32 $0x1  }
0x2: {  	[smem:$0x3F9D] =	sst lr;
	_ =	strace $0xD0000000  }
0x3: {  	_ = 	snop  }
0x4: {  	_ = 	snop  }
0x5: {  	_ = 	snop  }
0x6: {  	_ = 	snop  }
0x7: {  	_ = 	snop  }
__scs_overlays_trampoline_lowered:
0x8: {  	[smem:$0x3FAC] =	sst s0  }
0x9: {  	[smem:$0x3FAD] =	sst s1  }
0xa: {  	[smem:$0x3FAE] =	sst s2  }
0xb: {  	[smem:$0x3FAF] =	sst s3  }
0xc: {  	[smem:$0x3FB0] =	sst s4  }
0xd: {  	[smem:$0x3FB1] =	sst s5  }
0xe: {  	[smem:$0x3FB2] =	sst s6  }
0xf: {  	[smem:$0x3FB3] =	sst s7  }
0x10: {  	[smem:$0x3FB4] =	sst s8  }
0x11: {  	[smem:$0x3FB5] =	sst s9;
	s0 =	simm.s32 @!p0 $0x0  }
0x12: {  	s1 =	sld [smem:$0x3F9B];
	s0 =	simm.s32 @p0 $0x1  }
0x13: {  	[smem:$0x3FB6] =	sst s0;
	s0 =	simm.s32 @!p1 $0x0  }
0x14: {  	s2 =	sld [smem:$0x3F9A];
	s0 =	simm.s32 @p1 $0x1  }
0x15: {  	[smem:$0x3FB7] =	sst s0;
	s0 =	simm.s32 @!p2 $0x0  }
0x16: {  	s3 =	sld [smem:$0x3FDB];
	s0 =	simm.s32 @p2 $0x1  }
0x17: {  	s4 =	simm.s32 $0x1BF5;
	[smem:$0x3FB9] =	sst s0  }
0x18: {  	s0 =	sld [smem:$0x3F9C];
	_ =	swait.ge [sflag:s4], $0x0  }
0x19: {  	s7 =	sld [smem:$0x3F9D]  }
0x1a: {  	s8 =	sadd.s32 $0xFFFFE003, lr  }
0x1b: {  	s9 =	sadd.s32 $0xFFFFFEF7, lr;
	s5 =	simm.s32 $0xFFFFFFFF;
	p2 =	slt.u32 s8, $0xFFFFF086  }
0x1c: {  	p1 =	slt.u32 s9, $0xF7A;
	s5 =	simm.s32 @!p2 $0x0  }
0x1d: {  	s5 =	simm.s32 @p1 $0x1;
	p0 =	seq.s32 s7, s2  }
0x1e: {  	s7 =	smul.u32 @!p0 $0xF7A, s2;
	p2 =	seq.s32 @!p0 s5, $0x0  }
0x1f: {  	s9 =	smul.u32 $0xF7A, s1;
	s8 =	simm.s32 @!p0 $0x1BF5;
	p2 =	por !p2, p0  }
0x20: {  	[sflag:s8] =	ssyncset.s32 @!p0 $0xFFFFF086;
	s6 =	sadd.s32 @!p0 s3, s7;
	s7 =	simm.s32 @!p0 $0x108  }
0x21: {  	s3 =	sadd.s32 s3, s9;
	s6 =	sadd.s32 @!p0 $0x88, s6;
	s7 =	simm.s32 @p2 $0x1082  }
0x22: {  	[simem:s7], [sflag:s8] =	dma.local @!p0 [hbm:s6], $0xF7A  }
0x23: {  	s9 =	sor.u32 $0xD0000000, s2;
	s6 =	simm.s32 $0x108;
	_ =	swait.ge @!p0 [sflag:s8], $0x0  }
0x24: {  	s3 =	sadd.s32 $0x88, s3;
	s6 =	simm.s32 @!p1 $0x1082;
	[sflag:s4] =	ssyncset.s32 $0xFFFFF086  }
0x25: {  	[simem:s6], [sflag:s4] =	dma.local [hbm:s3], $0xF7A  }
0x26: {  	[smem:$0x3F9D] =	sst s1;
	(tag) =	ssettag s2;
	_ =	strace s9  }
0x27: {  	s1 =	sld [smem:$0x3FAD]  }
0x28: {  	s2 =	sld [smem:$0x3FAE]  }
0x29: {  	s4 =	sld [smem:$0x3FB0]  }
0x2a: {  	p0 =	seq.s32 s5, $0x0;
	s5 =	sld [smem:$0x3FB1]  }
0x2b: {  	s6 =	sld [smem:$0x3FB2]  }
0x2c: {  	s7 =	sld [smem:$0x3FB3]  }
0x2d: {  	s3 =	simm.s32 $0x108;
	s8 =	sld [smem:$0x3FB4]  }
0x2e: {  	s3 =	simm.s32 @!p0 $0x1082;
	s9 =	sld [smem:$0x3FB5]  }
0x2f: {  	lr =	sadd.s32 s0, s3;
	s0 =	sld [smem:$0x3FAC]  }
0x30: {  	s3 =	sld [smem:$0x3FAF]  }
0x31: {  	[smem:$0x3FB8] =	sst s10  }
0x32: {  	s10 =	sld [smem:$0x3FB6];
	_ =	sdelay $0x3  }
0x33: {  	p0 =	seq.s32 s10, $0x1;
	s10 =	sld [smem:$0x3FB8];
	_ =	sdelay $0x3  }
0x34: {  	[smem:$0x3FB8] =	sst s10  }
0x35: {  	s10 =	sld [smem:$0x3FB7];
	_ =	sdelay $0x3  }
0x36: {  	p1 =	seq.s32 s10, $0x1;
	s10 =	sld [smem:$0x3FB8];
	_ =	sdelay $0x3  }
0x37: {  	[smem:$0x3FB8] =	sst s10  }
0x38: {  	s10 =	sld [smem:$0x3FB9]  }
0x39: {  	_ = 	snop;
	(pc) =	sbr.ind lr, $3  }
0x3a: {  	_ = 	snop  }
0x3b: {  	_ = 	snop  }
0x3c: {  	p2 =	seq.s32 s10, $0x1;
	s10 =	sld [smem:$0x3FB8]  }
0x3d: {  	_ =	shalt  }
0x3e: {  	_ =	shalt  }
0x3f: {  	_ =	shalt  }
0x40: {  	_ =	shalt  }
0x41: {  	_ =	shalt  }
0x42: {  	_ =	shalt  }
0x43: {  	_ =	shalt  }
0x44: {  	_ =	shalt  }
0x45: {  	_ =	shalt  }
0x46: {  	_ =	shalt  }
0x47: {  	_ =	shalt  }
0x48: {  	_ =	shalt  }
0x49: {  	_ =	shalt  }
0x4a: {  	_ =	shalt  }
0x4b: {  	_ =	shalt  }
0x4c: {  	_ =	shalt  }
0x4d: {  	_ =	shalt  }
0x4e: {  	_ =	shalt  }
0x4f: {  	_ =	shalt  }
0x50: {  	_ =	shalt  }
0x51: {  	_ =	shalt  }
0x52: {  	_ =	shalt  }
0x53: {  	_ =	shalt  }
0x54: {  	_ =	shalt  }
0x55: {  	_ =	shalt  }
0x56: {  	_ =	shalt  }
0x57: {  	_ =	shalt  }
0x58: {  	_ =	shalt  }
0x59: {  	_ =	shalt  }
0x5a: {  	_ =	shalt  }
0x5b: {  	_ =	shalt  }
0x5c: {  	_ =	shalt  }
0x5d: {  	_ =	shalt  }
0x5e: {  	_ =	shalt  }
0x5f: {  	_ =	shalt  }
0x60: {  	_ =	shalt  }
0x61: {  	_ =	shalt  }
0x62: {  	_ =	shalt  }
0x63: {  	_ =	shalt  }
0x64: {  	_ =	shalt  }
0x65: {  	_ =	shalt  }
0x66: {  	_ =	shalt  }
0x67: {  	_ =	shalt  }
0x68: {  	_ =	shalt  }
0x69: {  	_ =	shalt  }
0x6a: {  	_ =	shalt  }
0x6b: {  	_ =	shalt  }
0x6c: {  	_ =	shalt  }
0x6d: {  	_ =	shalt  }
0x6e: {  	_ =	shalt  }
0x6f: {  	_ =	shalt  }
0x70: {  	_ =	shalt  }
0x71: {  	_ =	shalt  }
0x72: {  	_ =	shalt  }
0x73: {  	_ =	shalt  }
0x74: {  	_ =	shalt  }
0x75: {  	_ =	shalt  }
0x76: {  	_ =	shalt  }
0x77: {  	_ =	shalt  }
0x78: {  	_ =	shalt  }
0x79: {  	_ =	shalt  }
0x7a: {  	_ =	shalt  }
0x7b: {  	_ =	shalt  }
0x7c: {  	_ =	shalt  }
0x7d: {  	_ =	shalt  }
0x7e: {  	_ =	shalt  }
0x7f: {  	_ =	shalt  }
0x80: {  	_ =	shalt  }
0x81: {  	_ =	shalt  }
0x82: {  	_ =	shalt  }
0x83: {  	_ =	shalt  }
0x84: {  	_ =	shalt  }
0x85: {  	_ =	shalt  }
0x86: {  	_ =	shalt  }
0x87: {  	_ =	shalt  }
.Lfunc_end0:
.L_simem_size_0:
called_computation.1_lowered:
.L_overlay_start_0:
0x88: {  	s2 =	sld [smem:$0x3FD9]  }
0x89: {  	s3 =	sld [smem:$0x3FFE];
	_ =	sdelay $0x1  }
0x8a: {  	s1 =	srdreg.scid  }
0x8b: {  	s0 =	sand.u32 $0x1, s1  }
0x8c: {  	s14 =	sshll.u32 s0, $0xA;
	s2 =	sadd.s32 s3, s2  }
0x8d: {  	s2 =	sadd.s32 s2, s14  }
0x8e: {  	[smem:$0x3FC4] =	sst s2  }
0x8f: {  	_ = 	snop  }
0x90: {  	s2 =	sld [smem:$0x3FD0];
	_ =	sdelay $0x2  }
0x91: {  	s15 =	simm.s32 $0xB;
	s4 =	simm.s32 $0x10  }
0x92: {  	[smem:s4], [sflag:s15] =	dma.local [hbm:s2], $0x1  }
0x93: {  	_ =	swait.eq [sflag:s15], $0x1  }
0x94: {  	[sflag:s15] =	ssyncset.done $0x0  }
0x95: {  	[sflag:s15] =	ssyncadd.s32 $0xFFFFFFFF  }
0x96: {  	s16 =	sld [smem:$0x10];
	(tm) =	ssettm $0x1  }
0x97: {  	s17 =	sld [smem:$0x3FFB];
	_ =	sdelay $0x3  }
0x98: {  	_ =	strace s17  }
0x99: {  	s3 =	sld [smem:$0x3FFC];
	_ =	sdelay $0x3  }
0x9a: {  	_ =	strace s3  }
0x9b: {  	s3 =	sld [smem:$0x3FFD];
	_ =	sdelay $0x3  }
0x9c: {  	_ =	strace s3  }
0x9d: {  	_ =	strace $0x8FFFFFFF  }
0x9e: {  	s18 =	sld [smem:$0x3FDB];
	_ =	sdelay $0x1  }
0x9f: {  	s19 =	simm.s32 $_scs_section_size  }
0xa0: {  	s5 =	simm.s32 $_size__tile_overlayer_lowered;
	s6 =	simm.s32 $_tile_overlayer_lowered  }
0xa1: {  	s22 =	simm.s32 $0x1BFF;
	s21 =	sshll.u32 s6, $0x1;
	s3 =	sadd.s32 s19, s18  }
0xa2: {  	s7 =	simm.s32 $0x0;
	s20 =	sshll.u32 s5, $0x1;
	s5 =	sadd.s32 s21, s3  }
0xa3: {  	[timem:s7], [sflag:s22] =	dma.local [hbm:s5], s20  }
0xa4: {  	_ =	swait.ge [sflag:s22], s20  }
0xa5: {  	s4 =	ssub.s32 $0x0, s20;
	[sflag:s22] =	ssyncset.done $0x0  }
0xa6: {  	[sflag:s22] =	ssyncadd.s32 s4;
	_ =	sdelay $0x1  }
0xa7: {  	s23 =	simm.s32 $0x1B8B  }
0xa8: {  	_ =	swait.ge [sflag:s23], $0x1  }
0xa9: {  	[sflag:s23] =	ssyncset.done $0x0  }
0xaa: {  	s25 =	simm.s32 $0x1B8E;
	s24 =	sld [smem:$0x3FFE];
	[sflag:s23] =	ssyncadd.s32 $0xFFFFFFFF  }
0xab: {  	s26 =	simm.s32 $execute0_lowered;
	[smem:$0x3FD2] =	sst s25  }
0xac: {  	s5 =	sshll.u32 s26, $0x1;
	_ =	strace $0x80000046;
	[dreg:$0x1] =	wrdreg $0xFFFFFFFF  }
0xad: {  	s28 =	simm.s32 $_size_execute0_lowered;
	s3 =	sadd.s32 s3, s5;
	[dreg:$0x0] =	wrdreg $0x0  }
0xae: {  	s5 =	sshll.u32 s28, $0x1;
	[dreg:$0x2] =	wrdreg s3  }
0xaf: {  	[dreg:$0x3] =	wrdreg s5  }
0xb0: {  	[dreg:$0x4] =	wrdreg $0xC0  }
0xb1: {  	_ =	task [dreg:s7], $0x5FFFF  }
0xb2: {  	[dreg:$0x1] =	wrdreg $0xFFFFFFFF  }
0xb3: {  	[dreg:$0x0] =	wrdreg $0x60  }
0xb4: {  	[dreg:$0x2] =	wrdreg s16  }
0xb5: {  	[dreg:$0x3] =	wrdreg s24  }
0xb6: {  	[dreg:$0x4] =	wrdreg $0xA  }
0xb7: {  	_ =	task.clear_ibuf [dreg:s7], $0x5FFFF;
	_ =	strace $0x90000046  }
0xb8: {  	s29 =	simm.s32 $0xA;
	_ =	strace $0x80000048  }
0xb9: {  	_ =	swait.ge [sflag:s29], $0x1  }
0xba: {  	[sflag:s29] =	ssyncadd.s32 $0xFFFFFFFF  }
0xbb: {  	_ =	strace $0x90000048  }
0xbc: {  	_ =	sfence  }
0xbd: {  	s30 =	sld [smem:$0x0];
	_ =	sdelay $0x2  }
0xbe: {  	s31 =	sshll.u32 s1, $0xD;
	s1 =	sshrl.u32 s1, $0x2  }
0xbf: {  	s3 =	sand.u32 $0x4000, s31;
	s1 =	sadd.s32 s1, s30  }
0xc0: {  	s0 =	sor.u32 s3, s0;
	s1 =	sshll.u32 s1, $0x11  }
0xc1: {  	s0 =	sor.u32 s1, s0  }
0xc2: {  	s0 =	sadd.s32 $0x8F2B, s0  }
0xc3: {  	[sflag:s0] =	ssyncadd.remote.s32 $0x1  }
0xc4: {  	_ =	sfence.sel $0xFFFF  }
0xc5: {  	[dreg:$0x0] =	wrdreg $0xFFFFFFFF;
	(pc) =	sbr.abs _section_cstart, $3  }
0xc6: {  	[dreg:$0x1] =	wrdreg $0xFFFFFFFF  }
0xc7: {  	_ =	task.clear_ibuf [dreg:s7], $0x2FFFF;
	_ =	strace $0x9FFFFFFF  }
0xc8: {  	(tm) =	ssettm $0x7FFFFFFF  }
0xc9: {  	_ =	shalt  }
tec
execute0_lowered:
.L_overlay_start_1:
0x0: {  	(tag) =	ssettag $0x1  }
0x1: {  	s1 =	srdreg.scid  }
0x2: {  	s0 =	stileid.u32;
	s2 =	rddreg [dreg:$0x0];
	s6 =	sand.u32 $0x1, s1  }
0x3: {  	s9 =	rddreg [dreg:$0x1];
	s30 =	sshll.u32 s0, $0x7;
	s3 =	sshll.u32 s6, $0x6  }
0x4: {  	s7 =	simm.s32 $0x80;
	s8 =	simm.s32 $0x1;
	s10 =	sor.u32 s3, s30  }
0x5: {  	s1 =	rddreg [dreg:$0x2];
	s3 =	simm.s32 $0x0;
	s4 =	sshrl.u32 s10, $0x3  }
0x6: {  	s11 =	ssub.s32 $0x2, s6;
	[smem:$0x7FF] =	sst s3;
	s4 =	sadd.s32 s4, s9  }
0x7: {  	_ =	strace $0x80000047;
	s5 =	sadd.s32 $0x1600, s4;
	s4 =	simm.s32 $0x2  }
0x8: {  	[tilespmem:s3], [sflag:$0x2] =	stream.linear.gather [hbm4b:s5+s3], $0x40, $0x38;
	[tilespmem:$0x2080] =	vst v63  }
0x9: {  	s6 =	simm.s32 $0x40;
	s12 =	sshrl.u32 s11, $0x1;
	_ =	swait.ge [sflag:s4], $0x40  }
0xa: {  	s10 =	sshll.u32 s10, $0x4;
	s31 =	ssub.s32 s11, s12;
	[sflag:s4] =	ssyncset.done $0x0  }
0xb: {  	s9 =	sadd.s32 s10, s9;
	s10 =	smax.u32 s31, $0x1;
	[sflag:s4] =	ssyncadd.s32 $0xFFFFFFC0  }
0xc: {  	[tilespmem:s7], [sflag:$0x1] =	stream.indirect.gather [hbm4b:s2+s6], $0x80, s3, s6, $0xb8;
	[tilespmem:$0x2080] =	vst v63  }
0xd: {  	p0 =	sne.s32 s10, $0x1;
	_ =	swait.ge [sflag:s8], $0x2000  }
.Ltmp0:
0xe: {  	[sflag:s8] =	ssyncset.done $0x0;
	(pc) =	sbr.rel @!p0 .LBB2_2-.Ltmp0, $4  }
0xf: {  	s9 =	sadd.s32 $0x1800, s9;
	[sflag:s8] =	ssyncadd.s32 $0xFFFFE000  }
0x10: {  	[hbm4b:s9+s3] =	stream.linear.scatter [tilespmem:s7], [sflag:$0x2], $0x2000, $0x38;
	[tilespmem:$0x2080] =	vst v63  }
0x11: {  	_ =	swait.ge [sflag:s4], $0x2000  }
0x12: {  	s10 =	sadd.s32 $0xFFFFFFFF, s10;
	[sflag:s4] =	ssyncset.done $0x0  }
.LBB2_1:
0x13: {  	p0 =	sne.s32 s10, $0x1;
	s10 =	sadd.s32 $0xFFFFFFFF, s10;
	[sflag:s4] =	ssyncadd.s32 $0xFFFFE000  }
0x14: {  	[tilespmem:s3], [sflag:$0x2] =	stream.linear.gather [hbm4b:s5+s3], $0x40, $0x38;
	[tilespmem:$0x2080] =	vst v63  }
0x15: {  	_ =	swait.ge [sflag:s4], $0x40  }
0x16: {  	[sflag:s4] =	ssyncset.done $0x0  }
0x17: {  	[sflag:s4] =	ssyncadd.s32 $0xFFFFFFC0  }
0x18: {  	[tilespmem:s7], [sflag:$0x1] =	stream.indirect.gather [hbm4b:s2+s6], $0x80, s3, s6, $0xb8;
	[tilespmem:$0x2080] =	vst v63  }
0x19: {  	_ =	swait.ge [sflag:s8], $0x2000  }
.Ltmp1:
0x1a: {  	[sflag:s8] =	ssyncset.done $0x0;
	(pc) =	sbr.rel @p0 .LBB2_1-.Ltmp1, $4  }
0x1b: {  	[sflag:s8] =	ssyncadd.s32 $0xFFFFE000  }
0x1c: {  	[hbm4b:s9+s3] =	stream.linear.scatter [tilespmem:s7], [sflag:$0x2], $0x2000, $0x38;
	[tilespmem:$0x2080] =	vst v63  }
0x1d: {  	_ =	swait.ge [sflag:s4], $0x2000  }
0x1e: {  	[sflag:s4] =	ssyncset.done $0x0  }
.LBB2_2:
0x1f: {  	[sflag:s4] =	ssyncadd.s32 $0xFFFFE000  }
0x20: {  	_ =	sfence.sel $0x180000  }
0x21: {  	[bflag:$0x0] =	sbarrier.arrive $0xFFFF  }
0x22: {  	p0 =	sne.s32 s0, $0x0;
	_ =	strace $0x90000047  }
0x23: {  	s0 =	sadd.s32 @!p0 $0x100000, s1;
	[bflag:$0x2] =	sbarrier.arrive $0xFFFF  }
0x24: {  	[sflag:s0] =	ssyncadd.tile.s32 @!p0 $0x1;
	_ =	shalt  }
.Lfunc_end2:
_tile_overlayer_lowered:
.L_overlay_start_2:
0x25: {  	(tag) =	ssettag $0x2  }
0x26: {  	s0 =	rddreg [dreg:$0x0];
	s2 =	stileid.u32  }
0x27: {  	s1 =	rddreg [dreg:$0x1];
	p0 =	sne.s32 s2, $0x0  }
0x28: {  	s3 =	rddreg [dreg:$0x2];
	[bflag:$0x3] =	sbarrier.arrive $0xFFFF;
	s2 =	simm.s32 @!p0 $0x1C02  }
0x29: {  	[timem:s3], [sflag:s2] =	dma.local @!p0 [hbm:s0], s1  }
0x2a: {  	s0 =	simm.s32 @!p0 $0x2  }
0x2b: {  	_ =	swait.ge @!p0 [sflag:s0], s1  }
0x2c: {  	s1 =	ssub.s32 @!p0 $0x0, s1;
	[sflag:s0] =	ssyncset.done @!p0 $0x0  }
0x2d: {  	[sflag:s0] =	ssyncadd.s32 @!p0 s1  }
0x2e: {  	[bflag:$0x3] =	sbarrier.arrive $0xFFFF  }
0x2f: {  	_ =	shalt  }

// kernel: sparse-core-data-format-call.cloned.1.call-start
scs
called_computation_lowered:
.L_overlay_start_0:
0x0: {  	s2 =	sld [smem:$0x3FD9]  }
0x1: {  	s3 =	sld [smem:$0x3FFE];
	_ =	sdelay $0x1  }
0x2: {  	s1 =	srdreg.scid  }
0x3: {  	s0 =	sand.u32 $0x1, s1  }
0x4: {  	s16 =	sshll.u32 s0, $0xA;
	s2 =	sadd.s32 s3, s2  }
0x5: {  	s2 =	sadd.s32 s2, s16  }
0x6: {  	[smem:$0x3FC4] =	sst s2  }
0x7: {  	_ = 	snop  }
0x8: {  	s2 =	sld [smem:$0x3FD0];
	_ =	sdelay $0x2  }
0x9: {  	s17 =	simm.s32 $0xB;
	s4 =	simm.s32 $0x10  }
0xa: {  	[smem:s4], [sflag:s17] =	dma.local [hbm:s2], $0x1  }
0xb: {  	_ =	swait.eq [sflag:s17], $0x1  }
0xc: {  	[sflag:s17] =	ssyncset.done $0x0  }
0xd: {  	[sflag:s17] =	ssyncadd.s32 $0xFFFFFFFF  }
0xe: {  	s18 =	sld [smem:$0x11];
	(tm) =	ssettm $0x1  }
0xf: {  	s19 =	sld [smem:$0x3FFB];
	_ =	sdelay $0x3  }
0x10: {  	_ =	strace s19  }
0x11: {  	s2 =	sld [smem:$0x3FFC];
	_ =	sdelay $0x3  }
0x12: {  	_ =	strace s2  }
0x13: {  	s2 =	sld [smem:$0x3FFD];
	_ =	sdelay $0x3  }
0x14: {  	_ =	strace s2  }
0x15: {  	_ =	strace $0x8FFFFFFF  }
0x16: {  	s20 =	sld [smem:$0x3FDB];
	_ =	sdelay $0x1  }
0x17: {  	s21 =	simm.s32 $_scs_section_size  }
0x18: {  	s5 =	simm.s32 $_size__tile_overlayer_lowered;
	s6 =	simm.s32 $_tile_overlayer_lowered  }
0x19: {  	s7 =	simm.s32 $0x1BFF;
	s22 =	sshll.u32 s6, $0x1;
	s4 =	sadd.s32 s21, s20  }
0x1a: {  	s23 =	simm.s32 $0x0;
	s5 =	sshll.u32 s5, $0x1;
	s6 =	sadd.s32 s22, s4  }
0x1b: {  	[timem:s23], [sflag:s7] =	dma.local [hbm:s6], s5  }
0x1c: {  	_ =	swait.ge [sflag:s7], s5  }
0x1d: {  	s5 =	ssub.s32 $0x0, s5;
	[sflag:s7] =	ssyncset.done $0x0  }
0x1e: {  	[sflag:s7] =	ssyncadd.s32 s5;
	_ =	sdelay $0x1  }
0x1f: {  	s24 =	simm.s32 $0x1B8B  }
0x20: {  	_ =	swait.ge [sflag:s24], $0x1  }
0x21: {  	[sflag:s24] =	ssyncset.done $0x0  }
0x22: {  	[sflag:s24] =	ssyncadd.s32 $0xFFFFFFFF  }
0x23: {  	s5 =	sld [smem:$0x0]  }
0x24: {  	s6 =	sand.u32 $0xFFFFFFFE, s1  }
0x25: {  	p0 =	sne.s32 s1, s6  }
0x26: {  	s6 =	sshll.u32 @p0 s6, $0xE  }
0x27: {  	s6 =	sadd.s32 @p0 $0x11B8D, s6;
	s7 =	sshll.u32 @p0 s5, $0x11  }
0x28: {  	s6 =	sor.u32 @p0 s7, s6  }
0x29: {  	[sflag:s6] =	ssyncadd.remote.s32 @p0 $0x1;
	_ =	sdelay $0x1  }
0x2a: {  	s6 =	simm.s32 @p0 $0x1B8D  }
0x2b: {  	_ =	swait.eq @p0 [sflag:s6], $0x1  }
0x2c: {  	[sflag:s6] =	ssyncadd.s32 @p0 $0xFFFFFFFF  }
0x2d: {  	s7 =	sshll.u32 @!p0 s1, $0xE  }
0x2e: {  	s7 =	sor.u32 @!p0 $0x4000, s7;
	s6 =	simm.s32 @!p0 $0x1B8D  }
0x2f: {  	s5 =	sshll.u32 @!p0 s5, $0x11;
	s7 =	sadd.s32 @!p0 $0x11B8D, s7;
	_ =	swait.eq @!p0 [sflag:s6], $0x1  }
0x30: {  	s5 =	sor.u32 @!p0 s5, s7;
	[sflag:s6] =	ssyncadd.s32 @!p0 $0xFFFFFFFF  }
0x31: {  	s26 =	simm.s32 $0x1B8E;
	s25 =	sld [smem:$0x3FFE];
	[sflag:s5] =	ssyncadd.remote.s32 @!p0 $0x1  }
0x32: {  	s27 =	simm.s32 $execute0_lowered;
	[smem:$0x3FD2] =	sst s26  }
0x33: {  	s6 =	sshll.u32 s27, $0x1;
	_ =	strace $0x80000049;
	[dreg:$0x1] =	wrdreg $0xFFFFFFFF  }
0x34: {  	s28 =	simm.s32 $_size_execute0_lowered;
	s4 =	sadd.s32 s4, s6;
	[dreg:$0x0] =	wrdreg $0x0  }
0x35: {  	s6 =	sshll.u32 s28, $0x1;
	[dreg:$0x2] =	wrdreg s4  }
0x36: {  	[dreg:$0x3] =	wrdreg s6  }
0x37: {  	[dreg:$0x4] =	wrdreg $0xC0  }
0x38: {  	_ =	task [dreg:s23], $0x5FFFF  }
0x39: {  	[dreg:$0x1] =	wrdreg $0xFFFFFFFF  }
0x3a: {  	[dreg:$0x0] =	wrdreg $0x60  }
0x3b: {  	[dreg:$0x2] =	wrdreg s25  }
0x3c: {  	[dreg:$0x3] =	wrdreg s18  }
0x3d: {  	[dreg:$0x4] =	wrdreg $0x9  }
0x3e: {  	_ =	task.clear_ibuf [dreg:s23], $0x5FFFF;
	_ =	strace $0x90000049  }
0x3f: {  	s29 =	simm.s32 $0x9;
	_ =	strace $0x8000004B  }
0x40: {  	_ =	swait.ge [sflag:s29], $0x1  }
0x41: {  	[sflag:s29] =	ssyncadd.s32 $0xFFFFFFFF  }
0x42: {  	_ =	strace $0x9000004B  }
0x43: {  	_ =	sfence  }
0x44: {  	s30 =	sld [smem:$0x0];
	_ =	sdelay $0x2  }
0x45: {  	s31 =	sshll.u32 s1, $0xD;
	s1 =	sshrl.u32 s1, $0x2  }
0x46: {  	s4 =	sand.u32 $0x4000, s31;
	s1 =	sadd.s32 s1, s30  }
0x47: {  	s0 =	sor.u32 s4, s0;
	s1 =	sshll.u32 s1, $0x11  }
0x48: {  	s0 =	sor.u32 s1, s0  }
0x49: {  	s0 =	sadd.s32 $0x8F2B, s0  }
0x4a: {  	[sflag:s0] =	ssyncadd.remote.s32 $0x1  }
0x4b: {  	_ =	sfence.sel $0xFFFF  }
0x4c: {  	[dreg:$0x0] =	wrdreg $0xFFFFFFFF;
	(pc) =	sbr.abs _section_cstart, $3  }
0x4d: {  	[dreg:$0x1] =	wrdreg $0xFFFFFFFF  }
0x4e: {  	_ =	task.clear_ibuf [dreg:s23], $0x2FFFF;
	_ =	strace $0x9FFFFFFF  }
0x4f: {  	(tm) =	ssettm $0x7FFFFFFF  }
tec
execute0_lowered:
.L_overlay_start_1:
0x0: {  	(tag) =	ssettag $0x1  }
0x1: {  	s0 =	stileid.u32  }
0x2: {  	s1 =	srdreg.scid;
	s7 =	rddreg [dreg:$0x0];
	s31 =	simm.s32 $0x2  }
0x3: {  	s16 =	simm.s32 $0x0;
	p0 =	por $0x0, $0x0;
	s9 =	simm.s32 $0x100  }
0x4: {  	s15 =	simm.s32 $0x0;
	s10 =	simm.s32 $0x0;
	s11 =	simm.s32 $0x0  }
0x5: {  	s2 =	sshll.u32 s0, $0x7;
	s3 =	sshll.u32 s0, $0x6;
	s4 =	sshll.u32 s1, $0xA  }
0x6: {  	s14 =	simm.s32 $0x0;
	s1 =	sand.u32 $0x80, s2;
	s29 =	sor.u32 s3, s4  }
0x7: {  	s4 =	rddreg [dreg:$0x1];
	s3 =	sand.u32 $0x780, s29;
	s30 =	ssub.s32 $0x100, s1  }
0x8: {  	s5 =	sshrl.u32 s30, $0x7;
	s6 =	ssub.s32 $0x18680, s3;
	s8 =	sshrl.u32 s30, $0x8  }
.Ltmp0:
0x9: {  	s5 =	sand.u32 $0x1, s5;
	s6 =	sshrl.u32 s6, $0xB;
	(pc) =	sbr.rel .LBB1_1-.Ltmp0, $4  }
0xa: {  	s2 =	rddreg [dreg:$0x2];
	s8 =	sadd.s32 s8, s5;
	s6 =	sadd.s32 $0x1, s6  }
0xb: {  	_ =	strace $0x8000004A;
	s5 =	simm.s32 $0x1;
	s6 =	smul.u32 s8, s6  }
0xc: {  	s7 =	sadd.s32 $0x9800, s7;
	s13 =	smov.u32 s1;
	[sflag:s5] =	ssyncpa.u1 $0x0  }
0xd: {  	s12 =	smov.u32 s3;
	[sflag:s31] =	ssyncpa.u1 $0x0;
	s8 =	sadd.s32 $0x1, s6  }
.LBB1_4:
0xe: {  	v5 =	vld [tilespmem:s18+$0xFFFFFFD0];
	[tilespmem:s20+$0x2040 ss:$0x81] =	vst.msk $0xffff, v3  }
0xf: {  	v58 =	vld [tilespmem:s18+$0xFFFFFFE0];
	[tilespmem:s20+$0x2850 ss:$0x81] =	vst.msk $0xffff, v4;
	s21 =	sshra.s32 s21, $0x2;
	p1 =	sgt.s32 s10, $0x18620;
	s22 =	smov.u32 s10  }
0x10: {  	v59 =	vld [tilespmem:s18+$0xFFFFFFF0];
	[tilespmem:s20+$0x3060 ss:$0x81] =	vst.msk $0xffff, v2;
	s30 =	sshra.s32 s10, $0x1F;
	s23 =	sshra.s32 s11, $0x1F;
	s19 =	sadd.s32 s21, s19  }
0x11: {  	v60 =	vld [tilespmem:s18+$0x0];
	[tilespmem:s20+$0x0 ss:$0x81] =	vst.msk $0xffff, v1;
	s22 =	simm.s32 @!p1 $0x18620;
	p1 =	sgt.s32 s11, $0x80;
	s21 =	smov.u32 s11  }
0x12: {  	v61 =	vld [tilespmem:s18+$0x10];
	s31 =	sand.u32 s30, s10;
	s23 =	sand.u32 s23, s11;
	[tilespmem:s19+$0x3870 ss:$0x81] =	vst.msk $0xffff, v0;
	s21 =	simm.s32 @!p1 $0x80  }
0x13: {  	v62 =	vld [tilespmem:s18+$0x20];
	s20 =	ssub.s32 s22, s31;
	s21 =	ssub.s32 s21, s23;
	[tilespmem:s19+$0x810 ss:$0x81] =	vst.msk $0xffff, v5  }
0x14: {  	v63 =	vld [tilespmem:s18+$0xFFFFFFC0];
	s24 =	sadd.s32 $0xFFFE79E0, s20;
	s20 =	ssub.s32 $0x186A0, s20;
	s25 =	sadd.s32 $0xFFFFFF80, s21;
	[tilespmem:s19+$0x1020 ss:$0x81] =	vst.msk $0xffff, v58  }
0x15: {  	p1 =	sgt.s32 s24, $0x7F;
	s18 =	ssub.s32 $0x100, s21;
	[tilespmem:s19+$0x1830 ss:$0x81] =	vst.msk $0xffff, v59;
	p2 =	sgt.s32 s25, $0x7F  }
0x16: {  	s26 =	sshrl.u32 s11, $0x3;
	s20 =	simm.s32 @p1 $0x0;
	[tilespmem:s19+$0x2040 ss:$0x81] =	vst.msk $0xffff, v60;
	s18 =	simm.s32 @p2 $0x0  }
0x17: {  	s28 =	sand.u32 $0x7, s11;
	s27 =	sand.u32 $0x1F, s26;
	[tilespmem:s19+$0x2850 ss:$0x81] =	vst.msk $0xffff, v61;
	s18 =	smul.u32 s18, s20  }
0x18: {  	s29 =	sshll.u32 s10, $0x5;
	s21 =	sshll.u32 s28, $0x12;
	[tilespmem:s19+$0x3060 ss:$0x81] =	vst.msk $0xffff, v62;
	s20 =	sadd.s32 s4, s27  }
0x19: {  	[tilespmem:s19+$0x0 ss:$0x81] =	vst.msk $0xffff, v63;
	s31 =	sor.u32 $0x80, s21;
	s30 =	sadd.s32 s29, s20;
	s18 =	sand.u32 $0x3FFFFFFF, s18  }
0x1a: {  	[hbm4b:s30+s31] =	stream.strided.scatter [tilespmem:s17], [sflag:$0x2], s18, s9, s31, $0x20;
	[tilespmem:$0x10100] =	vst v63  }
.LBB1_5:
0x1b: {  	p1 =	slt.u32 s14, $0x2  }
0x1c: {  	s18 =	smov.u32 s16;
	p2 =	sgt.s32 @!p1 s16, $0x18620;
	s17 =	sshra.s32 @!p1 s16, $0x1F  }
0x1d: {  	p3 =	sgt.s32 @!p1 s15, $0x80;
	s19 =	sshra.s32 @!p1 s15, $0x1F;
	p2 =	por !p2, p1  }
0x1e: {  	s16 =	sand.u32 @!p1 s17, s16;
	p3 =	por !p3, p1;
	s17 =	smov.u32 s15  }
0x1f: {  	s15 =	sand.u32 @!p1 s19, s15;
	s18 =	simm.s32 @p2 $0x18620;
	s17 =	simm.s32 @p3 $0x80  }
0x20: {  	s16 =	ssub.s32 @!p1 s18, s16;
	s15 =	ssub.s32 @!p1 s17, s15  }
0x21: {  	s19 =	smov.u32 s13;
	s17 =	sadd.s32 @!p1 $0xFFFE79E0, s16;
	s18 =	sadd.s32 @!p1 $0xFFFFFF80, s15  }
0x22: {  	s16 =	ssub.s32 @!p1 $0x186A0, s16;
	p2 =	sgt.s32 @!p1 s17, $0x7F;
	p3 =	sgt.s32 @!p1 s18, $0x7F  }
0x23: {  	s15 =	ssub.s32 @!p1 $0x100, s15;
	p2 =	por !p2, p1;
	p3 =	por !p3, p1  }
0x24: {  	s17 =	sadd.s32 $0x800, s12;
	s16 =	simm.s32 @!p2 $0x0;
	s15 =	simm.s32 @!p3 $0x0  }
0x25: {  	p2 =	sgt.s32 s17, $0x1869F;
	s15 =	smul.u32 @!p1 s15, s16;
	s16 =	sadd.s32 $0x100, s13  }
0x26: {  	s19 =	smov.u32 @p2 s16  }
0x27: {  	s17 =	smov.u32 @p2 s3;
	p2 =	sgt.s32 s19, $0xFF  }
0x28: {  	s19 =	smov.u32 @p2 s1;
	p2 =	sne.s32 s14, s8  }
.Ltmp1:
0x29: {  	p0 =	por !p0, !p0;
	s18 =	simm.s32 @!p1 $0x2;
	(pc) =	sbr.rel @!p2 .LBB1_6-.Ltmp1, $4  }
0x2a: {  	s16 =	smov.u32 s10;
	s10 =	smov.u32 s12;
	s15 =	sand.u32 @!p1 $0x3FFFFFFF, s15  }
0x2b: {  	s12 =	smov.u32 s17;
	_ =	swait.ge @!p1 [sflag:s18], s15;
	s20 =	ssub.s32 @!p1 $0x0, s15  }
0x2c: {  	s15 =	smov.u32 s11;
	s14 =	sadd.s32 $0x1, s14;
	[sflag:s18] =	ssyncset.done @!p1 $0x0  }
0x2d: {  	s11 =	smov.u32 s13;
	s13 =	smov.u32 s19;
	[sflag:s18] =	ssyncadd.s32 @!p1 s20  }
.LBB1_1:
0x2e: {  	p1 =	sge.u32 s14, s6  }
0x2f: {  	s17 =	sshrl.u32 @!p1 s13, $0x3  }
0x30: {  	s18 =	sshll.u32 @!p1 s12, $0x3;
	s17 =	smul.u32 @!p1 $0xC3800, s17  }
0x31: {  	s19 =	sshll.u32 @!p1 s13, $0x7;
	s18 =	sand.u32 @!p1 $0xFFFFFC00, s18  }
0x32: {  	s17 =	sadd.s32 @!p1 s17, s18;
	s18 =	sand.u32 @!p1 $0x380, s19  }
0x33: {  	s19 =	sand.u32 @!p1 $0x7F, s12;
	s17 =	sor.u32 @!p1 s18, s17  }
0x34: {  	s18 =	sor.u32 @!p1 s19, s17  }
0x35: {  	s19 =	smulhi.u32 @!p1 $0xA79C7B17, s18;
	_ =	sdelay $0x1  }
0x36: {  	s17 =	smulhi.u32 @!p1 $0xA79C7B17, s17;
	s19 =	sshrl.u32 @!p1 s19, $0x10  }
0x37: {  	s19 =	smul.u32 @!p1 $0x18700, s19  }
0x38: {  	s31 =	sadd.s32 $0xFFFFFFFF, s14;
	s20 =	sxor.u32 @!p1 $0xFFFFFFFF, s14;
	s17 =	sshrl.u32 @!p1 s17, $0x10  }
0x39: {  	s20 =	sshll.u32 @!p1 s20, $0xE;
	s17 =	sand.u32 @!p1 $0xFF, s17;
	s18 =	ssub.s32 @!p1 s18, s19  }
0x3a: {  	s17 =	smul.u32 @!p1 $0x30E0, s17;
	s19 =	sshrl.u32 @!p1 s18, $0x3;
	s18 =	sand.u32 @!p1 $0x7, s18  }
0x3b: {  	s20 =	sand.u32 @!p1 $0x4000, s20;
	s19 =	sadd.s32 @!p1 s7, s19;
	s18 =	sshll.u32 @!p1 s18, $0x12  }
0x3c: {  	s17 =	sadd.s32 @!p1 s17, s19;
	s18 =	sor.u32 @!p1 $0x400, s18;
	s19 =	simm.s32 @!p1 $0xC3800  }
0x3d: {  	[tilespmem:s20], [sflag:$0x1] =	stream.strided.gather @!p1 [hbm4b:s17+s18], $0x4000, s19, s18, $0x38;
	[tilespmem:$0x10100] =	vst v63  }
0x3e: {  	p1 =	sge.u32 s31, s6  }
.Ltmp2:
0x3f: {  	_ = 	snop;
	(pc) =	sbr.rel @p1 .LBB1_5-.Ltmp2, $1  }
0x40: {  	_ =	sdelay $0x3  }
0x41: {  	s17 =	simm.s32 $0x1  }
0x42: {  	_ =	swait.ge [sflag:s5], $0x4000;
	s17 =	simm.s32 @!p0 $0x0  }
0x43: {  	[sflag:s5] =	ssyncset.done $0x0;
	s18 =	sshll.u32 s17, $0xE  }
0x44: {  	[sflag:s5] =	ssyncadd.s32 $0xFFFFC000;
	s18 =	sor.u32 $0x40, s18  }
0x45: {  	s17 =	smul.u32 $0x10200, s17;
	v0 =	vld [tilespmem:s18+$0x30]  }
0x46: {  	v1 =	vld [tilespmem:s18+$0xFFFFFFD0]  }
0x47: {  	s17 =	sshrl.u32 s17, $0x2;
	v5 =	vld [tilespmem:s18+$0xFFFFFFE0]  }
0x48: {  	v6 =	vld [tilespmem:s18+$0xFFFFFFF0];
	s19 =	sor.u32 $0x8000, s17  }
0x49: {  	s31 =	sand.u32 $0x1, s14;
	v3 =	vld [tilespmem:s18+$0x0];
	s20 =	sadd.s32 $0x0, s19  }
0x4a: {  	v4 =	vld [tilespmem:s18+$0x10];
	s17 =	smul.u32 $0x10200, s31;
	[tilespmem:s20+$0x3870 ss:$0x81] =	vst.msk $0xffff, v0  }
0x4b: {  	v2 =	vld [tilespmem:s18+$0x20];
	[tilespmem:s20+$0x810 ss:$0x81] =	vst.msk $0xffff, v1  }
0x4c: {  	s17 =	sshrl.u32 s17, $0x2;
	v1 =	vld [tilespmem:s18+$0xFFFFFFC0];
	[tilespmem:s20+$0x1020 ss:$0x81] =	vst.msk $0xffff, v5;
	s18 =	sadd.s32 $0x80, s18  }
0x4d: {  	s21 =	simm.s32 $0x4;
	s22 =	simm.s32 $0x8;
	s17 =	sor.u32 $0x8000, s17;
	[tilespmem:s20+$0x1830 ss:$0x81] =	vst.msk $0xffff, v6;
	v0 =	vld [tilespmem:s18+$0x30]  }
.LBB1_3:
0x4e: {  	p1 =	sne.s32 s22, $0x1FC;
	v5 =	vld [tilespmem:s18+$0xFFFFFFD0];
	[tilespmem:s20+$0x2040 ss:$0x81] =	vst.msk $0xffff, v3  }
0x4f: {  	v6 =	vld [tilespmem:s18+$0xFFFFFFE0];
	[tilespmem:s20+$0x2850 ss:$0x81] =	vst.msk $0xffff, v4  }
0x50: {  	s23 =	sshra.s32 s21, $0x2;
	s21 =	smov.u32 s22;
	v7 =	vld [tilespmem:s18+$0xFFFFFFF0];
	[tilespmem:s20+$0x3060 ss:$0x81] =	vst.msk $0xffff, v2  }
.Ltmp3:
0x51: {  	v3 =	vld [tilespmem:s18+$0x0];
	[tilespmem:s20+$0x0 ss:$0x81] =	vst.msk $0xffff, v1;
	s20 =	sadd.s32 s23, s19;
	(pc) =	sbr.rel @p1 .LBB1_3-.Ltmp3, $4  }
0x52: {  	v4 =	vld [tilespmem:s18+$0x10];
	[tilespmem:s20+$0x3870 ss:$0x81] =	vst.msk $0xffff, v0  }
0x53: {  	[tilespmem:s20+$0x810 ss:$0x81] =	vst.msk $0xffff, v5;
	v2 =	vld [tilespmem:s18+$0x20]  }
0x54: {  	v1 =	vld [tilespmem:s18+$0xFFFFFFC0];
	[tilespmem:s20+$0x1020 ss:$0x81] =	vst.msk $0xffff, v6;
	s18 =	sadd.s32 $0x80, s18  }
0x55: {  	s22 =	sadd.s32 $0x4, s22;
	v0 =	vld [tilespmem:s18+$0x30];
	[tilespmem:s20+$0x1830 ss:$0x81] =	vst.msk $0xffff, v7  }
.Ltmp4:
0x56: {  	_ = 	snop;
	(pc) =	sbr.rel .LBB1_4-.Ltmp4, $1  }
0x57: {  	_ =	sdelay $0x3  }
.LBB1_6:
0x58: {  	_ =	sfence.sel $0x180000  }
0x59: {  	s1 =	simm.s32 $0x1;
	[bflag:$0x0] =	sbarrier.arrive $0xFFFF  }
0x5a: {  	s31 =	simm.s32 $0x2;
	[sflag:s1] =	ssyncpa.u1 $0x1  }
0x5b: {  	[sflag:s31] =	ssyncpa.u1 $0x1  }
0x5c: {  	p0 =	sne.s32 s0, $0x0;
	_ =	strace $0x9000004A  }
0x5d: {  	s0 =	sadd.s32 @!p0 $0x100000, s2;
	[bflag:$0x2] =	sbarrier.arrive $0xFFFF  }
0x5e: {  	[sflag:s0] =	ssyncadd.tile.s32 @!p0 $0x1;
	_ =	shalt  }
.Lfunc_end1:
_tile_overlayer_lowered:
.L_overlay_start_2:
0x5f: {  	(tag) =	ssettag $0x2  }
0x60: {  	s0 =	rddreg [dreg:$0x0];
	s2 =	stileid.u32  }
0x61: {  	s1 =	rddreg [dreg:$0x1];
	p0 =	sne.s32 s2, $0x0  }
0x62: {  	s3 =	rddreg [dreg:$0x2];
	[bflag:$0x3] =	sbarrier.arrive $0xFFFF;
	s2 =	simm.s32 @!p0 $0x1C01  }
0x63: {  	[timem:s3], [sflag:s2] =	dma.local @!p0 [hbm:s0], s1  }
0x64: {  	s0 =	simm.s32 @!p0 $0x1  }
0x65: {  	_ =	swait.ge @!p0 [sflag:s0], s1  }
0x66: {  	s1 =	ssub.s32 @!p0 $0x0, s1;
	[sflag:s0] =	ssyncset.done @!p0 $0x0  }
0x67: {  	[sflag:s0] =	ssyncadd.s32 @!p0 s1  }
0x68: {  	[bflag:$0x3] =	sbarrier.arrive $0xFFFF  }
0x69: {  	_ =	shalt  }

</sc_bundles>
